<compile_context>
chip_gen: v7x
topology: tpu7x:2x2x1
jax: 0.10.2.dev20260603
libtpu: 0.0.44.dev20260713+nightly
codegen_flags: <defaults>
</compile_context>

<pallas_src>
import jax
import jax.numpy as jnp
from jax.experimental import pallas as pl
from jax.experimental.pallas import tpu as pltpu
from jax.experimental.pallas import tpu_sc as plsc

_B, _C, _H, _W = 64, 768, 24, 24
_HW = _H * _W
_BB = 4
_RPW = 144
_NSTAGE = 2
_SROWS = _RPW * _NSTAGE
_BPT = 2
_DPB = _HW // _SROWS


def _mul_body(t_ref, s_ref, emb_ref, x_ref, out_ref):
    del t_ref
    m = jax.nn.sigmoid(s_ref[0, 0] * emb_ref[0, 0, :])
    out_ref[...] = x_ref[...] * m[None, None, :]


def _sc_mask_body(t_hbm, s_hbm, emb_hbm, mask_hbm, tv, sv, row, slab,
                  shared, sems):
    core = jax.lax.axis_index("c")
    sid = jax.lax.axis_index("s")

    @pl.when(sid < _NSTAGE)
    def _():
        pltpu.sync_copy(t_hbm, tv.at[pl.ds(0, 1)])
        pltpu.sync_copy(s_hbm, sv.at[pl.ds(0, 1)])
        ts = tv[...][0]
        sval = sv[...][0]
        pltpu.sync_copy(emb_hbm.at[pl.ds(ts, 1)], row)

        @pl.loop(0, _C, step=16)
        def _(j):
            z = row[0, 0, pl.ds(j, 16)]
            slab[0, pl.ds(j, 16)] = 1.0 / (1.0 + jnp.exp(-sval * z))

        @pl.loop(1, _RPW)
        def _(r):
            @pl.loop(0, _C, step=16)
            def _(j):
                slab[r, pl.ds(j, 16)] = slab[0, pl.ds(j, 16)]

        pltpu.sync_copy(slab, shared.at[pl.ds(sid * _RPW, _RPW)])

    plsc.subcore_barrier()

    base = core * 32 + sid * _BPT

    def cp(i, j):
        return pltpu.make_async_copy(
            shared,
            mask_hbm.at[base + i, pl.ds(j * _SROWS, _SROWS)],
            sems.at[i * _DPB + j])

    for i in range(_BPT):
        for j in range(_DPB):
            cp(i, j).start()
    for i in range(_BPT):
        for j in range(_DPB):
            cp(i, j).wait()


def kernel(t, x, s, embedding):
    xt = jnp.transpose(x, (0, 2, 3, 1)).reshape(_B, _HW, _C)
    s2 = s.reshape(1, 1)
    t32 = t.astype(jnp.int32)
    emb3 = embedding.reshape(100, 1, _C)

    sc_mask = pl.kernel(
        _sc_mask_body,
        out_type=jax.ShapeDtypeStruct((_B, _HW, _C), jnp.float32),
        mesh=plsc.VectorSubcoreMesh(core_axis_name="c", subcore_axis_name="s"),
        scratch_types=[
            pltpu.VMEM((16,), jnp.int32),
            pltpu.VMEM((16,), jnp.float32),
            pltpu.VMEM((1, 1, _C), jnp.float32),
            pltpu.VMEM((_RPW, _C), jnp.float32),
            pltpu.VMEM_SHARED((_SROWS, _C), jnp.float32),
            pltpu.SemaphoreType.DMA((_BPT * _DPB,)),
        ],
    )
    mask = sc_mask(t32, s, emb3)

    out = pl.pallas_call(
        _mul_body,
        grid_spec=pltpu.PrefetchScalarGridSpec(
            num_scalar_prefetch=1,
            grid=(_B // _BB,),
            in_specs=[
                pl.BlockSpec((1, 1), lambda b, t_ref: (0, 0)),
                pl.BlockSpec((1, 1, _C), lambda b, t_ref: (t_ref[0], 0, 0)),
                pl.BlockSpec((_BB, _HW, _C), lambda b, t_ref: (b, 0, 0)),
            ],
            out_specs=pl.BlockSpec((_BB, _HW, _C), lambda b, t_ref: (b, 0, 0)),
        ),
        out_shape=jax.ShapeDtypeStruct((_B, _HW, _C), jnp.float32),
    )(t32, s2, emb3, xt)

    out4 = jnp.transpose(out.reshape(_B, _H, _W, _C), (0, 3, 1, 2))
    mask4 = jnp.transpose(mask.reshape(_B, _H, _W, _C), (0, 3, 1, 2))
    return out4, mask4

# --- scband reference (transcript-rebuilt; emitter-appended) ---
"""Pipeline reference for scband-hatlayer-5823975653396 (READ-ONLY COPY).

The authoritative reference and input builder live on the scoring server;
editing this copy changes nothing except your own understanding.
"""

import jax, jax.numpy as jnp
import numpy as np


def setup_inputs(seed: int = 0) -> dict:
    key = jax.random.key(seed)
    k1, k2, k3 = jax.random.split(key, 3)
    t = jax.random.randint(k1, (1,), 0, 100, dtype=jnp.int64) if jax.config.jax_enable_x64 else jax.random.randint(k1, (1,), 0, 100).astype(jnp.int32)
    x = jax.random.normal(k2, (64, 768, 24, 24), dtype=jnp.float32)
    s = jnp.ones((1,), dtype=jnp.float32)
    embedding = jax.random.normal(k3, (100, 768), dtype=jnp.float32)
    return {"t": t, "x": x, "s": s, "embedding": embedding}


def reference(t, x, s, embedding):
    # mask = sigmoid(s * Embedding(t)) ; t has shape [1] -> emb shape [1, num_features]
    emb = jnp.take(embedding, t, axis=0)  # [1, 768]
    mask = jax.nn.sigmoid(s * emb)        # [1, 768]
    # x is 4D: view(1, -1, 1, 1).expand_as(x)
    mask = jnp.broadcast_to(mask.reshape(1, -1, 1, 1), x.shape)
    return (x * mask, mask)

if __name__ == "__main__":
    import jax
    _d = setup_inputs()
    print(jax.jit(kernel)(*tuple(_d.values())))

</pallas_src>

<mosaic_0001>
#map = affine_map<(d0, d1) -> (0)>
#map1 = affine_map<(d0, d1) -> (0, 0, 0)>
module attributes {stable_mosaic.version = 14 : i64} {
  func.func @_sc_mask_body(%arg0: i32, %arg1: i32, %arg2: memref<1xi32, #tpu.memory_space<hbm>>, %arg3: memref<1xf32, #tpu.memory_space<hbm>>, %arg4: memref<100x1x768xf32, #tpu.memory_space<hbm>>, %arg5: memref<64x576x768xf32, #tpu.memory_space<hbm>>, %arg6: memref<16xi32, #tpu.memory_space<vmem>>, %arg7: memref<16xf32, #tpu.memory_space<vmem>>, %arg8: memref<1x1x768xf32, #tpu.memory_space<vmem>>, %arg9: memref<144x768xf32, #tpu.memory_space<vmem>>, %arg10: memref<288x768xf32, #tpu.memory_space<vmem_shared>>, %arg11: memref<4x!tpu.dma_semaphore, #tpu.memory_space<semaphore_mem>>) attributes {dimension_semantics = [#tpu.dimension_semantics<core_parallel>, #tpu.dimension_semantics<subcore_parallel>], iteration_bounds = array<i64: 2, 16>, scalar_prefetch = 0 : i64, scratch_operands = 6 : i64, tpu.core_type = #tpu.core_type<sc_vector_subcore>, window_params = [{transform_indices = #map}, {transform_indices = #map}, {transform_indices = #map1}, {transform_indices = #map1}]} {
    %lt3A = arith.constant 2 : i32
    %lt3A_0 = arith.cmpi slt, %arg1, %lt3A : i32
    %convert_element_type3A = arith.extui %lt3A_0 : i1 to i32
    %cond3A = arith.constant 0 : i32
    %cond3A_1 = arith.cmpi ne, %convert_element_type3A, %cond3A : i32
    scf.if %cond3A_1 {
      "tpu.region"() ({
        %run_scoped3A = tpu.sem_alloc : memref<!tpu.dma_semaphore, #tpu.memory_space<semaphore_mem>>
        %dma_start3A_93 = arith.constant 0 : i32
        %dma_start3A_94 = tpu.memref_slice %arg6[%dma_start3A_93] : memref<16xi32, #tpu.memory_space<vmem>> -> memref<1xi32, #tpu.memory_space<vmem>>
        %dma_start3A_95 = arith.constant 0 : i32
        %dma_start3A_96 = tpu.memref_slice %arg6[%dma_start3A_95] : memref<16xi32, #tpu.memory_space<vmem>> -> memref<1xi32, #tpu.memory_space<vmem>>
        tpu.enqueue_dma source(%arg2 : memref<1xi32, #tpu.memory_space<hbm>>) target(%dma_start3A_96 : memref<1xi32, #tpu.memory_space<vmem>>) target_semaphore(%run_scoped3A : memref<!tpu.dma_semaphore, #tpu.memory_space<semaphore_mem>>)
        %dma_wait3A_97 = arith.constant 0 : i32
        %dma_wait3A_98 = tpu.memref_slice %arg6[%dma_wait3A_97] : memref<16xi32, #tpu.memory_space<vmem>> -> memref<1xi32, #tpu.memory_space<vmem>>
        %dma_wait3A_99 = arith.constant 0 : i32
        %dma_wait3A_100 = tpu.memref_slice %arg6[%dma_wait3A_99] : memref<16xi32, #tpu.memory_space<vmem>> -> memref<1xi32, #tpu.memory_space<vmem>>
        tpu.wait_dma2 semaphore(%run_scoped3A : memref<!tpu.dma_semaphore, #tpu.memory_space<semaphore_mem>>) src(%arg2 : memref<1xi32, #tpu.memory_space<hbm>>) dst(%dma_wait3A_100 : memref<1xi32, #tpu.memory_space<vmem>>)
        tpu.yield
      }) : () -> ()
      "tpu.region"() ({
        %run_scoped3A = tpu.sem_alloc : memref<!tpu.dma_semaphore, #tpu.memory_space<semaphore_mem>>
        %dma_start3A_93 = arith.constant 0 : i32
        %dma_start3A_94 = tpu.memref_slice %arg7[%dma_start3A_93] : memref<16xf32, #tpu.memory_space<vmem>> -> memref<1xf32, #tpu.memory_space<vmem>>
        %dma_start3A_95 = arith.constant 0 : i32
        %dma_start3A_96 = tpu.memref_slice %arg7[%dma_start3A_95] : memref<16xf32, #tpu.memory_space<vmem>> -> memref<1xf32, #tpu.memory_space<vmem>>
        tpu.enqueue_dma source(%arg3 : memref<1xf32, #tpu.memory_space<hbm>>) target(%dma_start3A_96 : memref<1xf32, #tpu.memory_space<vmem>>) target_semaphore(%run_scoped3A : memref<!tpu.dma_semaphore, #tpu.memory_space<semaphore_mem>>)
        %dma_wait3A_97 = arith.constant 0 : i32
        %dma_wait3A_98 = tpu.memref_slice %arg7[%dma_wait3A_97] : memref<16xf32, #tpu.memory_space<vmem>> -> memref<1xf32, #tpu.memory_space<vmem>>
        %dma_wait3A_99 = arith.constant 0 : i32
        %dma_wait3A_100 = tpu.memref_slice %arg7[%dma_wait3A_99] : memref<16xf32, #tpu.memory_space<vmem>> -> memref<1xf32, #tpu.memory_space<vmem>>
        tpu.wait_dma2 semaphore(%run_scoped3A : memref<!tpu.dma_semaphore, #tpu.memory_space<semaphore_mem>>) src(%arg3 : memref<1xf32, #tpu.memory_space<hbm>>) dst(%dma_wait3A_100 : memref<1xf32, #tpu.memory_space<vmem>>)
        tpu.yield
      }) : () -> ()
      %get3A = arith.constant 0 : index
      %get3A_75 = tpu.vector_load %arg6[%get3A] {strides = array<i32>} : memref<16xi32, #tpu.memory_space<vmem>>, vector<16xi32>,
      %get3A_76 = vector.shape_cast %get3A_75 : vector<16xi32> to vector<16xi32>
      %slice3A = vector.extract_strided_slice %get3A_76 {offsets = [0], sizes = [1], strides = [1]} : vector<16xi32> to vector<1xi32>
      %squeeze3A = vector.extract %slice3A[0] : i32 from vector<1xi32>
      %get3A_77 = arith.constant 0 : index
      %get3A_78 = tpu.vector_load %arg7[%get3A_77] {strides = array<i32>} : memref<16xf32, #tpu.memory_space<vmem>>, vector<16xf32>,
      %get3A_79 = vector.shape_cast %get3A_78 : vector<16xf32> to vector<16xf32>
      %slice3A_80 = vector.extract_strided_slice %get3A_79 {offsets = [0], sizes = [1], strides = [1]} : vector<16xf32> to vector<1xf32>
      %squeeze3A_81 = vector.extract %slice3A_80[0] : f32 from vector<1xf32>
      "tpu.region"() ({
        %run_scoped3A = tpu.sem_alloc : memref<!tpu.dma_semaphore, #tpu.memory_space<semaphore_mem>>
        %dma_start3A_93 = arith.constant 0 : i32
        %dma_start3A_94 = arith.constant 0 : i32
        %dma_start3A_95 = tpu.memref_slice %arg4[%squeeze3A, %dma_start3A_93, %dma_start3A_94] : memref<100x1x768xf32, #tpu.memory_space<hbm>> -> memref<1x1x768xf32, #tpu.memory_space<hbm>>
        %dma_start3A_96 = arith.constant 0 : i32
        %dma_start3A_97 = arith.constant 0 : i32
        %dma_start3A_98 = tpu.memref_slice %arg4[%squeeze3A, %dma_start3A_96, %dma_start3A_97] : memref<100x1x768xf32, #tpu.memory_space<hbm>> -> memref<1x1x768xf32, #tpu.memory_space<hbm>>
        tpu.enqueue_dma source(%dma_start3A_98 : memref<1x1x768xf32, #tpu.memory_space<hbm>>) target(%arg8 : memref<1x1x768xf32, #tpu.memory_space<vmem>>) target_semaphore(%run_scoped3A : memref<!tpu.dma_semaphore, #tpu.memory_space<semaphore_mem>>)
        %dma_wait3A_99 = arith.constant 0 : i32
        %dma_wait3A_100 = arith.constant 0 : i32
        %dma_wait3A_101 = tpu.memref_slice %arg4[%squeeze3A, %dma_wait3A_99, %dma_wait3A_100] : memref<100x1x768xf32, #tpu.memory_space<hbm>> -> memref<1x1x768xf32, #tpu.memory_space<hbm>>
        %dma_wait3A_102 = arith.constant 0 : i32
        %dma_wait3A_103 = arith.constant 0 : i32
        %dma_wait3A_104 = tpu.memref_slice %arg4[%squeeze3A, %dma_wait3A_102, %dma_wait3A_103] : memref<100x1x768xf32, #tpu.memory_space<hbm>> -> memref<1x1x768xf32, #tpu.memory_space<hbm>>
        tpu.wait_dma2 semaphore(%run_scoped3A : memref<!tpu.dma_semaphore, #tpu.memory_space<semaphore_mem>>) src(%dma_wait3A_104 : memref<1x1x768xf32, #tpu.memory_space<hbm>>) dst(%arg8 : memref<1x1x768xf32, #tpu.memory_space<vmem>>)
        tpu.yield
      }) : () -> ()
      %scan3A = arith.constant 0 : i32
      %scan3A_82 = arith.constant 48 : i32
      %scan3A_83 = arith.addi %scan3A, %scan3A_82 : i32
      %scan3A_84 = arith.constant 1 : i32
      scf.for %scan3A_93 = %scan3A to %scan3A_83 step %scan3A_84  : i32 {
        %mul3A_94 = arith.constant 16 : i32
        %mul3A_95 = arith.muli %scan3A_93, %mul3A_94 : i32
        %add3A_96 = arith.constant 0 : i32
        %add3A_97 = arith.addi %add3A_96, %mul3A_95 : i32
        %get3A_98 = arith.constant 0 : i32
        %get3A_99 = arith.constant 0 : i32
        %get3A_100 = arith.index_cast %get3A_98 : i32 to index
        %get3A_101 = arith.index_cast %get3A_99 : i32 to index
        %get3A_102 = arith.index_cast %add3A_97 : i32 to index
        %get3A_103 = tpu.vector_load %arg8[%get3A_100, %get3A_101, %get3A_102] {strides = array<i32>} : memref<1x1x768xf32, #tpu.memory_space<vmem>>, vector<1x1x16xf32>,
        %get3A_104 = vector.shape_cast %get3A_103 : vector<1x1x16xf32> to vector<16xf32>
        %neg3A = arith.constant 0.000000e+00 : f32
        %neg3A_105 = arith.subf %neg3A, %squeeze3A_81 : f32
        %mul3A_106 = vector.broadcast %neg3A_105 : f32 to vector<16xf32>
        %mul3A_107 = arith.mulf %mul3A_106, %get3A_104 : vector<16xf32>
        %exp3A = math.exp %mul3A_107 : vector<16xf32>
        %add3A_108 = arith.constant 1.000000e+00 : f32
        %add3A_109 = vector.broadcast %add3A_108 : f32 to vector<16xf32>
        %add3A_110 = arith.addf %add3A_109, %exp3A : vector<16xf32>
        %div3A = arith.constant 1.000000e+00 : f32
        %div3A_111 = vector.broadcast %div3A : f32 to vector<16xf32>
        %div3A_112 = arith.divf %div3A_111, %add3A_110 : vector<16xf32>
        %swap3A = arith.constant 0 : i32
        %swap3A_113 = arith.index_cast %swap3A : i32 to index
        %swap3A_114 = arith.index_cast %add3A_97 : i32 to index
        %swap3A_115 = tpu.vector_load %arg9[%swap3A_113, %swap3A_114] {strides = array<i32>} : memref<144x768xf32, #tpu.memory_space<vmem>>, vector<1x16xf32>,
        %swap3A_116 = vector.shape_cast %swap3A_115 : vector<1x16xf32> to vector<16xf32>
        %swap3A_117 = vector.shape_cast %div3A_112 : vector<16xf32> to vector<1x16xf32>
        tpu.vector_store %arg9[%swap3A_113, %swap3A_114], %swap3A_117 {strides = array<i32>} : memref<144x768xf32, #tpu.memory_space<vmem>>, vector<1x16xf32>,
      }
      %scan3A_85 = arith.constant 48 : i32
      %scan3A_86 = arith.constant 0 : i32
      %scan3A_87 = arith.constant 143 : i32
      %scan3A_88 = arith.addi %scan3A_86, %scan3A_87 : i32
      %scan3A_89 = arith.constant 1 : i32
      scf.for %scan3A_93 = %scan3A_86 to %scan3A_88 step %scan3A_89  : i32 {
        %mul3A_94 = arith.constant 1 : i32
        %mul3A_95 = arith.muli %scan3A_93, %mul3A_94 : i32
        %add3A_96 = arith.constant 1 : i32
        %add3A_97 = arith.addi %add3A_96, %mul3A_95 : i32
        %scan3A_98 = arith.constant 0 : i32
        %scan3A_99 = arith.constant 48 : i32
        %scan3A_100 = arith.addi %scan3A_98, %scan3A_99 : i32
        %scan3A_101 = arith.constant 1 : i32
        scf.for %scan3A_103 = %scan3A_98 to %scan3A_100 step %scan3A_101  : i32 {
          %mul3A_104 = arith.constant 16 : i32
          %mul3A_105 = arith.muli %scan3A_103, %mul3A_104 : i32
          %add3A_106 = arith.constant 0 : i32
          %add3A_107 = arith.addi %add3A_106, %mul3A_105 : i32
          %get3A_108 = arith.constant 0 : i32
          %get3A_109 = arith.index_cast %get3A_108 : i32 to index
          %get3A_110 = arith.index_cast %add3A_107 : i32 to index
          %get3A_111 = tpu.vector_load %arg9[%get3A_109, %get3A_110] {strides = array<i32>} : memref<144x768xf32, #tpu.memory_space<vmem>>, vector<1x16xf32>,
          %get3A_112 = vector.shape_cast %get3A_111 : vector<1x16xf32> to vector<16xf32>
          %swap3A = arith.index_cast %add3A_97 : i32 to index
          %swap3A_113 = arith.index_cast %add3A_107 : i32 to index
          %swap3A_114 = tpu.vector_load %arg9[%swap3A, %swap3A_113] {strides = array<i32>} : memref<144x768xf32, #tpu.memory_space<vmem>>, vector<1x16xf32>,
          %swap3A_115 = vector.shape_cast %swap3A_114 : vector<1x16xf32> to vector<16xf32>
          %swap3A_116 = vector.shape_cast %get3A_112 : vector<16xf32> to vector<1x16xf32>
          tpu.vector_store %arg9[%swap3A, %swap3A_113], %swap3A_116 {strides = array<i32>} : memref<144x768xf32, #tpu.memory_space<vmem>>, vector<1x16xf32>,
        }
        %scan3A_102 = arith.constant 48 : i32
      }
      %scan3A_90 = arith.constant 143 : i32
      %mul3A_91 = arith.constant 144 : i32
      %mul3A_92 = arith.muli %arg1, %mul3A_91 : i32
      "tpu.region"() ({
        %run_scoped3A = tpu.sem_alloc : memref<!tpu.dma_semaphore, #tpu.memory_space<semaphore_mem>>
        %dma_start3A_93 = arith.constant 0 : i32
        %dma_start3A_94 = tpu.memref_slice %arg10[%mul3A_92, %dma_start3A_93] : memref<288x768xf32, #tpu.memory_space<vmem_shared>> -> memref<144x768xf32, #tpu.memory_space<vmem_shared>>
        %dma_start3A_95 = arith.constant 0 : i32
        %dma_start3A_96 = tpu.memref_slice %arg10[%mul3A_92, %dma_start3A_95] : memref<288x768xf32, #tpu.memory_space<vmem_shared>> -> memref<144x768xf32, #tpu.memory_space<vmem_shared>>
        tpu.enqueue_dma source(%arg9 : memref<144x768xf32, #tpu.memory_space<vmem>>) target(%dma_start3A_96 : memref<144x768xf32, #tpu.memory_space<vmem_shared>>) target_semaphore(%run_scoped3A : memref<!tpu.dma_semaphore, #tpu.memory_space<semaphore_mem>>)
        %dma_wait3A_97 = arith.constant 0 : i32
        %dma_wait3A_98 = tpu.memref_slice %arg10[%mul3A_92, %dma_wait3A_97] : memref<288x768xf32, #tpu.memory_space<vmem_shared>> -> memref<144x768xf32, #tpu.memory_space<vmem_shared>>
        %dma_wait3A_99 = arith.constant 0 : i32
        %dma_wait3A_100 = tpu.memref_slice %arg10[%mul3A_92, %dma_wait3A_99] : memref<288x768xf32, #tpu.memory_space<vmem_shared>> -> memref<144x768xf32, #tpu.memory_space<vmem_shared>>
        tpu.wait_dma2 semaphore(%run_scoped3A : memref<!tpu.dma_semaphore, #tpu.memory_space<semaphore_mem>>) src(%arg9 : memref<144x768xf32, #tpu.memory_space<vmem>>) dst(%dma_wait3A_100 : memref<144x768xf32, #tpu.memory_space<vmem_shared>>)
        tpu.yield
      }) : () -> ()
    } else {
    }
    %barrier3A = arith.constant 0 : index
    tpu.barrier barrier_id(%barrier3A)
    %mul3A = arith.constant 32 : i32
    %mul3A_2 = arith.muli %arg0, %mul3A : i32
    %mul3A_3 = arith.constant 2 : i32
    %mul3A_4 = arith.muli %arg1, %mul3A_3 : i32
    %add3A = arith.addi %mul3A_2, %mul3A_4 : i32
    %add3A_5 = arith.constant 0 : i32
    %add3A_6 = arith.addi %add3A, %add3A_5 : i32
    %dma_start3A = arith.constant 0 : i32
    %dma_start3A_7 = tpu.memref_slice %arg11[%dma_start3A] : memref<4x!tpu.dma_semaphore, #tpu.memory_space<semaphore_mem>> -> memref<1x!tpu.dma_semaphore, #tpu.memory_space<semaphore_mem>>
    %dma_start3A_8 = tpu.memref_squeeze %dma_start3A_7 : memref<1x!tpu.dma_semaphore, #tpu.memory_space<semaphore_mem>> -> memref<!tpu.dma_semaphore, #tpu.memory_space<semaphore_mem>>
    %dma_start3A_9 = arith.constant 0 : i32
    %dma_start3A_10 = arith.constant 0 : i32
    %dma_start3A_11 = tpu.memref_slice %arg5[%add3A_6, %dma_start3A_9, %dma_start3A_10] : memref<64x576x768xf32, #tpu.memory_space<hbm>> -> memref<1x288x768xf32, #tpu.memory_space<hbm>>
    %dma_start3A_12 = tpu.memref_squeeze %dma_start3A_11 : memref<1x288x768xf32, #tpu.memory_space<hbm>> -> memref<288x768xf32, #tpu.memory_space<hbm>>
    tpu.enqueue_dma source(%arg10 : memref<288x768xf32, #tpu.memory_space<vmem_shared>>) target(%dma_start3A_12 : memref<288x768xf32, #tpu.memory_space<hbm>>) target_semaphore(%dma_start3A_8 : memref<!tpu.dma_semaphore, #tpu.memory_space<semaphore_mem>>)
    %add3A_13 = arith.constant 0 : i32
    %add3A_14 = arith.addi %add3A, %add3A_13 : i32
    %dma_start3A_15 = arith.constant 1 : i32
    %dma_start3A_16 = tpu.memref_slice %arg11[%dma_start3A_15] : memref<4x!tpu.dma_semaphore, #tpu.memory_space<semaphore_mem>> -> memref<1x!tpu.dma_semaphore, #tpu.memory_space<semaphore_mem>>
    %dma_start3A_17 = tpu.memref_squeeze %dma_start3A_16 : memref<1x!tpu.dma_semaphore, #tpu.memory_space<semaphore_mem>> -> memref<!tpu.dma_semaphore, #tpu.memory_space<semaphore_mem>>
    %dma_start3A_18 = arith.constant 288 : i32
    %dma_start3A_19 = arith.constant 0 : i32
    %dma_start3A_20 = tpu.memref_slice %arg5[%add3A_14, %dma_start3A_18, %dma_start3A_19] : memref<64x576x768xf32, #tpu.memory_space<hbm>> -> memref<1x288x768xf32, #tpu.memory_space<hbm>>
    %dma_start3A_21 = tpu.memref_squeeze %dma_start3A_20 : memref<1x288x768xf32, #tpu.memory_space<hbm>> -> memref<288x768xf32, #tpu.memory_space<hbm>>
    tpu.enqueue_dma source(%arg10 : memref<288x768xf32, #tpu.memory_space<vmem_shared>>) target(%dma_start3A_21 : memref<288x768xf32, #tpu.memory_space<hbm>>) target_semaphore(%dma_start3A_17 : memref<!tpu.dma_semaphore, #tpu.memory_space<semaphore_mem>>)
    %add3A_22 = arith.constant 1 : i32
    %add3A_23 = arith.addi %add3A, %add3A_22 : i32
    %dma_start3A_24 = arith.constant 2 : i32
    %dma_start3A_25 = tpu.memref_slice %arg11[%dma_start3A_24] : memref<4x!tpu.dma_semaphore, #tpu.memory_space<semaphore_mem>> -> memref<1x!tpu.dma_semaphore, #tpu.memory_space<semaphore_mem>>
    %dma_start3A_26 = tpu.memref_squeeze %dma_start3A_25 : memref<1x!tpu.dma_semaphore, #tpu.memory_space<semaphore_mem>> -> memref<!tpu.dma_semaphore, #tpu.memory_space<semaphore_mem>>
    %dma_start3A_27 = arith.constant 0 : i32
    %dma_start3A_28 = arith.constant 0 : i32
    %dma_start3A_29 = tpu.memref_slice %arg5[%add3A_23, %dma_start3A_27, %dma_start3A_28] : memref<64x576x768xf32, #tpu.memory_space<hbm>> -> memref<1x288x768xf32, #tpu.memory_space<hbm>>
    %dma_start3A_30 = tpu.memref_squeeze %dma_start3A_29 : memref<1x288x768xf32, #tpu.memory_space<hbm>> -> memref<288x768xf32, #tpu.memory_space<hbm>>
    tpu.enqueue_dma source(%arg10 : memref<288x768xf32, #tpu.memory_space<vmem_shared>>) target(%dma_start3A_30 : memref<288x768xf32, #tpu.memory_space<hbm>>) target_semaphore(%dma_start3A_26 : memref<!tpu.dma_semaphore, #tpu.memory_space<semaphore_mem>>)
    %add3A_31 = arith.constant 1 : i32
    %add3A_32 = arith.addi %add3A, %add3A_31 : i32
    %dma_start3A_33 = arith.constant 3 : i32
    %dma_start3A_34 = tpu.memref_slice %arg11[%dma_start3A_33] : memref<4x!tpu.dma_semaphore, #tpu.memory_space<semaphore_mem>> -> memref<1x!tpu.dma_semaphore, #tpu.memory_space<semaphore_mem>>
    %dma_start3A_35 = tpu.memref_squeeze %dma_start3A_34 : memref<1x!tpu.dma_semaphore, #tpu.memory_space<semaphore_mem>> -> memref<!tpu.dma_semaphore, #tpu.memory_space<semaphore_mem>>
    %dma_start3A_36 = arith.constant 288 : i32
    %dma_start3A_37 = arith.constant 0 : i32
    %dma_start3A_38 = tpu.memref_slice %arg5[%add3A_32, %dma_start3A_36, %dma_start3A_37] : memref<64x576x768xf32, #tpu.memory_space<hbm>> -> memref<1x288x768xf32, #tpu.memory_space<hbm>>
    %dma_start3A_39 = tpu.memref_squeeze %dma_start3A_38 : memref<1x288x768xf32, #tpu.memory_space<hbm>> -> memref<288x768xf32, #tpu.memory_space<hbm>>
    tpu.enqueue_dma source(%arg10 : memref<288x768xf32, #tpu.memory_space<vmem_shared>>) target(%dma_start3A_39 : memref<288x768xf32, #tpu.memory_space<hbm>>) target_semaphore(%dma_start3A_35 : memref<!tpu.dma_semaphore, #tpu.memory_space<semaphore_mem>>)
    %add3A_40 = arith.constant 0 : i32
    %add3A_41 = arith.addi %add3A, %add3A_40 : i32
    %dma_wait3A = arith.constant 0 : i32
    %dma_wait3A_42 = tpu.memref_slice %arg11[%dma_wait3A] : memref<4x!tpu.dma_semaphore, #tpu.memory_space<semaphore_mem>> -> memref<1x!tpu.dma_semaphore, #tpu.memory_space<semaphore_mem>>
    %dma_wait3A_43 = tpu.memref_squeeze %dma_wait3A_42 : memref<1x!tpu.dma_semaphore, #tpu.memory_space<semaphore_mem>> -> memref<!tpu.dma_semaphore, #tpu.memory_space<semaphore_mem>>
    %dma_wait3A_44 = arith.constant 0 : i32
    %dma_wait3A_45 = arith.constant 0 : i32
    %dma_wait3A_46 = tpu.memref_slice %arg5[%add3A_41, %dma_wait3A_44, %dma_wait3A_45] : memref<64x576x768xf32, #tpu.memory_space<hbm>> -> memref<1x288x768xf32, #tpu.memory_space<hbm>>
    %dma_wait3A_47 = tpu.memref_squeeze %dma_wait3A_46 : memref<1x288x768xf32, #tpu.memory_space<hbm>> -> memref<288x768xf32, #tpu.memory_space<hbm>>
    tpu.wait_dma2 semaphore(%dma_wait3A_43 : memref<!tpu.dma_semaphore, #tpu.memory_space<semaphore_mem>>) src(%arg10 : memref<288x768xf32, #tpu.memory_space<vmem_shared>>) dst(%dma_wait3A_47 : memref<288x768xf32, #tpu.memory_space<hbm>>)
    %add3A_48 = arith.constant 0 : i32
    %add3A_49 = arith.addi %add3A, %add3A_48 : i32
    %dma_wait3A_50 = arith.constant 1 : i32
    %dma_wait3A_51 = tpu.memref_slice %arg11[%dma_wait3A_50] : memref<4x!tpu.dma_semaphore, #tpu.memory_space<semaphore_mem>> -> memref<1x!tpu.dma_semaphore, #tpu.memory_space<semaphore_mem>>
    %dma_wait3A_52 = tpu.memref_squeeze %dma_wait3A_51 : memref<1x!tpu.dma_semaphore, #tpu.memory_space<semaphore_mem>> -> memref<!tpu.dma_semaphore, #tpu.memory_space<semaphore_mem>>
    %dma_wait3A_53 = arith.constant 288 : i32
    %dma_wait3A_54 = arith.constant 0 : i32
    %dma_wait3A_55 = tpu.memref_slice %arg5[%add3A_49, %dma_wait3A_53, %dma_wait3A_54] : memref<64x576x768xf32, #tpu.memory_space<hbm>> -> memref<1x288x768xf32, #tpu.memory_space<hbm>>
    %dma_wait3A_56 = tpu.memref_squeeze %dma_wait3A_55 : memref<1x288x768xf32, #tpu.memory_space<hbm>> -> memref<288x768xf32, #tpu.memory_space<hbm>>
    tpu.wait_dma2 semaphore(%dma_wait3A_52 : memref<!tpu.dma_semaphore, #tpu.memory_space<semaphore_mem>>) src(%arg10 : memref<288x768xf32, #tpu.memory_space<vmem_shared>>) dst(%dma_wait3A_56 : memref<288x768xf32, #tpu.memory_space<hbm>>)
    %add3A_57 = arith.constant 1 : i32
    %add3A_58 = arith.addi %add3A, %add3A_57 : i32
    %dma_wait3A_59 = arith.constant 2 : i32
    %dma_wait3A_60 = tpu.memref_slice %arg11[%dma_wait3A_59] : memref<4x!tpu.dma_semaphore, #tpu.memory_space<semaphore_mem>> -> memref<1x!tpu.dma_semaphore, #tpu.memory_space<semaphore_mem>>
    %dma_wait3A_61 = tpu.memref_squeeze %dma_wait3A_60 : memref<1x!tpu.dma_semaphore, #tpu.memory_space<semaphore_mem>> -> memref<!tpu.dma_semaphore, #tpu.memory_space<semaphore_mem>>
    %dma_wait3A_62 = arith.constant 0 : i32
    %dma_wait3A_63 = arith.constant 0 : i32
    %dma_wait3A_64 = tpu.memref_slice %arg5[%add3A_58, %dma_wait3A_62, %dma_wait3A_63] : memref<64x576x768xf32, #tpu.memory_space<hbm>> -> memref<1x288x768xf32, #tpu.memory_space<hbm>>
    %dma_wait3A_65 = tpu.memref_squeeze %dma_wait3A_64 : memref<1x288x768xf32, #tpu.memory_space<hbm>> -> memref<288x768xf32, #tpu.memory_space<hbm>>
    tpu.wait_dma2 semaphore(%dma_wait3A_61 : memref<!tpu.dma_semaphore, #tpu.memory_space<semaphore_mem>>) src(%arg10 : memref<288x768xf32, #tpu.memory_space<vmem_shared>>) dst(%dma_wait3A_65 : memref<288x768xf32, #tpu.memory_space<hbm>>)
    %add3A_66 = arith.constant 1 : i32
    %add3A_67 = arith.addi %add3A, %add3A_66 : i32
    %dma_wait3A_68 = arith.constant 3 : i32
    %dma_wait3A_69 = tpu.memref_slice %arg11[%dma_wait3A_68] : memref<4x!tpu.dma_semaphore, #tpu.memory_space<semaphore_mem>> -> memref<1x!tpu.dma_semaphore, #tpu.memory_space<semaphore_mem>>
    %dma_wait3A_70 = tpu.memref_squeeze %dma_wait3A_69 : memref<1x!tpu.dma_semaphore, #tpu.memory_space<semaphore_mem>> -> memref<!tpu.dma_semaphore, #tpu.memory_space<semaphore_mem>>
    %dma_wait3A_71 = arith.constant 288 : i32
    %dma_wait3A_72 = arith.constant 0 : i32
    %dma_wait3A_73 = tpu.memref_slice %arg5[%add3A_67, %dma_wait3A_71, %dma_wait3A_72] : memref<64x576x768xf32, #tpu.memory_space<hbm>> -> memref<1x288x768xf32, #tpu.memory_space<hbm>>
    %dma_wait3A_74 = tpu.memref_squeeze %dma_wait3A_73 : memref<1x288x768xf32, #tpu.memory_space<hbm>> -> memref<288x768xf32, #tpu.memory_space<hbm>>
    tpu.wait_dma2 semaphore(%dma_wait3A_70 : memref<!tpu.dma_semaphore, #tpu.memory_space<semaphore_mem>>) src(%arg10 : memref<288x768xf32, #tpu.memory_space<vmem_shared>>) dst(%dma_wait3A_74 : memref<288x768xf32, #tpu.memory_space<hbm>>)
    return
  }
}

module attributes {stable_mosaic.version = 14 : i64} {
  func.func @_mul_body(%arg0: i32, %arg1: memref<1xi32, #tpu.memory_space<smem>>, %arg2: memref<1x1xf32, #tpu.memory_space<vmem>>, %arg3: memref<1x1x768xf32, #tpu.memory_space<vmem>>, %arg4: memref<4x576x768xf32, #tpu.memory_space<vmem>>, %arg5: memref<4x576x768xf32, #tpu.memory_space<vmem>>) attributes {dimension_semantics = [#tpu.dimension_semantics<arbitrary>], iteration_bounds = array<i64: 16>, scalar_prefetch = 1 : i64, scratch_operands = 0 : i64, tpu.core_type = #tpu.core_type<tc>, window_params = [{pipeline_mode = #tpu.pipeline_mode<synchronous>, transform_indices = @transform_0, window_bounds = array<i64: 1, 1>}, {transform_indices = @transform_1, window_bounds = array<i64: 1, 1, 768>}, {transform_indices = @transform_2, window_bounds = array<i64: 4, 576, 768>}, {transform_indices = @transform_3, window_bounds = array<i64: 4, 576, 768>}]} {
    %get3A = arith.constant 0 : index
    %get3A_0 = arith.constant 0 : index
    %get3A_1 = vector.load %arg2[%get3A, %get3A_0] : memref<1x1xf32, #tpu.memory_space<vmem>>, vector<1x1xf32>
    %get3A_2 = vector.extract %get3A_1[0, 0] : f32 from vector<1x1xf32>
    %get3A_3 = arith.constant 0 : index
    %get3A_4 = arith.constant 0 : index
    %get3A_5 = arith.constant 0 : index
    %get3A_6 = vector.load %arg3[%get3A_3, %get3A_4, %get3A_5] : memref<1x1x768xf32, #tpu.memory_space<vmem>>, vector<1x1x768xf32>
    %get3A_7 = vector.shape_cast %get3A_6 : vector<1x1x768xf32> to vector<768xf32>
    %mul3A = vector.broadcast %get3A_2 : f32 to vector<768xf32>
    %mul3A_8 = arith.mulf %mul3A, %get3A_7 : vector<768xf32>
    %logistic3A = arith.negf %mul3A_8 : vector<768xf32>
    %logistic3A_9 = math.exp %logistic3A : vector<768xf32>
    %logistic3A_10 = arith.constant 1.000000e+00 : f32
    %logistic3A_11 = vector.broadcast %logistic3A_10 : f32 to vector<768xf32>
    %logistic3A_12 = arith.addf %logistic3A_11, %logistic3A_9 : vector<768xf32>
    %logistic3A_13 = arith.divf %logistic3A_11, %logistic3A_12 : vector<768xf32>
    %get3A_14 = arith.constant 0 : index
    %get3A_15 = arith.constant 0 : index
    %get3A_16 = arith.constant 0 : index
    %get3A_17 = vector.load %arg4[%get3A_14, %get3A_15, %get3A_16] : memref<4x576x768xf32, #tpu.memory_space<vmem>>, vector<4x576x768xf32>
    %broadcast_in_dim3A = vector.shape_cast %logistic3A_13 : vector<768xf32> to vector<1x1x768xf32>
    %mul3A_18 = vector.broadcast %broadcast_in_dim3A : vector<1x1x768xf32> to vector<4x576x768xf32>
    %mul3A_19 = arith.mulf %get3A_17, %mul3A_18 : vector<4x576x768xf32>
    %swap3A = arith.constant 0 : index
    %swap3A_20 = arith.constant 0 : index
    %swap3A_21 = arith.constant 0 : index
    %swap3A_22 = vector.load %arg5[%swap3A, %swap3A_20, %swap3A_21] : memref<4x576x768xf32, #tpu.memory_space<vmem>>, vector<4x576x768xf32>
    tpu.vector_store %arg5[%swap3A, %swap3A_20, %swap3A_21], %mul3A_19 {strides = array<i32>} : memref<4x576x768xf32, #tpu.memory_space<vmem>>, vector<4x576x768xf32>,
    return
  }
  func.func @transform_0(%arg0: i32, %arg1: memref<1xi32, #tpu.memory_space<smem>>) -> (i32, i32) {
    %c0_i32 = arith.constant 0 : i32
    %c0_i32_0 = arith.constant 0 : i32
    %c0_i32_1 = arith.constant 0 : i32
    return %c0_i32, %c0_i32_0 : i32, i32
  }
  func.func @transform_1(%arg0: i32, %arg1: memref<1xi32, #tpu.memory_space<smem>>) -> (i32, i32, i32) {
    %get3A = arith.constant 0 : index
    %get3A_0 = memref.load %arg1[%get3A] : memref<1xi32, #tpu.memory_space<smem>>
    %c0_i32 = arith.constant 0 : i32
    %c0_i32_1 = arith.constant 0 : i32
    %c0_i32_2 = arith.constant 0 : i32
    return %get3A_0, %c0_i32, %c0_i32_1 : i32, i32, i32
  }
  func.func @transform_2(%arg0: i32, %arg1: memref<1xi32, #tpu.memory_space<smem>>) -> (i32, i32, i32) {
    %c0_i32 = arith.constant 0 : i32
    %c0_i32_0 = arith.constant 0 : i32
    %c0_i32_1 = arith.constant 0 : i32
    return %arg0, %c0_i32, %c0_i32_0 : i32, i32, i32
  }
  func.func @transform_3(%arg0: i32, %arg1: memref<1xi32, #tpu.memory_space<smem>>) -> (i32, i32, i32) {
    %c0_i32 = arith.constant 0 : i32
    %c0_i32_0 = arith.constant 0 : i32
    %c0_i32_1 = arith.constant 0 : i32
    return %arg0, %c0_i32, %c0_i32_0 : i32, i32, i32
  }
}

</mosaic_0001>

<sc_bundles>
// kernel: kernel.4.cloned.1.call-start
scs
__scs_entry_jumppad:
0x0: {  	(pc) =	sbr.rel $0x88, $3  }
0x1: {  	(tag) =	ssettag $0x0;
	lr =	simm.s32 $0x1  }
0x2: {  	[smem:$0x3F9D] =	sst lr;
	_ =	strace $0xD0000000  }
0x3: {  	_ = 	snop  }
0x4: {  	_ = 	snop  }
0x5: {  	_ = 	snop  }
0x6: {  	_ = 	snop  }
0x7: {  	_ = 	snop  }
__scs_overlays_trampoline_lowered:
0x8: {  	[smem:$0x3FAC] =	sst s0  }
0x9: {  	[smem:$0x3FAD] =	sst s1  }
0xa: {  	[smem:$0x3FAE] =	sst s2  }
0xb: {  	[smem:$0x3FAF] =	sst s3  }
0xc: {  	[smem:$0x3FB0] =	sst s4  }
0xd: {  	[smem:$0x3FB1] =	sst s5  }
0xe: {  	[smem:$0x3FB2] =	sst s6  }
0xf: {  	[smem:$0x3FB3] =	sst s7  }
0x10: {  	[smem:$0x3FB4] =	sst s8  }
0x11: {  	[smem:$0x3FB5] =	sst s9;
	s0 =	simm.s32 @!p0 $0x0  }
0x12: {  	s1 =	sld [smem:$0x3F9B];
	s0 =	simm.s32 @p0 $0x1  }
0x13: {  	[smem:$0x3FB6] =	sst s0;
	s0 =	simm.s32 @!p1 $0x0  }
0x14: {  	s2 =	sld [smem:$0x3F9A];
	s0 =	simm.s32 @p1 $0x1  }
0x15: {  	[smem:$0x3FB7] =	sst s0;
	s0 =	simm.s32 @!p2 $0x0  }
0x16: {  	s3 =	sld [smem:$0x3FDB];
	s0 =	simm.s32 @p2 $0x1  }
0x17: {  	s4 =	simm.s32 $0x1BF5;
	[smem:$0x3FB9] =	sst s0  }
0x18: {  	s0 =	sld [smem:$0x3F9C];
	_ =	swait.ge [sflag:s4], $0x0  }
0x19: {  	s7 =	sld [smem:$0x3F9D]  }
0x1a: {  	s8 =	sadd.s32 $0xFFFFE003, lr  }
0x1b: {  	s9 =	sadd.s32 $0xFFFFFEF7, lr;
	s5 =	simm.s32 $0xFFFFFFFF;
	p2 =	slt.u32 s8, $0xFFFFF086  }
0x1c: {  	p1 =	slt.u32 s9, $0xF7A;
	s5 =	simm.s32 @!p2 $0x0  }
0x1d: {  	s5 =	simm.s32 @p1 $0x1;
	p0 =	seq.s32 s7, s2  }
0x1e: {  	s7 =	smul.u32 @!p0 $0xF7A, s2;
	p2 =	seq.s32 @!p0 s5, $0x0  }
0x1f: {  	s9 =	smul.u32 $0xF7A, s1;
	s8 =	simm.s32 @!p0 $0x1BF5;
	p2 =	por !p2, p0  }
0x20: {  	[sflag:s8] =	ssyncset.s32 @!p0 $0xFFFFF086;
	s6 =	sadd.s32 @!p0 s3, s7;
	s7 =	simm.s32 @!p0 $0x108  }
0x21: {  	s3 =	sadd.s32 s3, s9;
	s6 =	sadd.s32 @!p0 $0x88, s6;
	s7 =	simm.s32 @p2 $0x1082  }
0x22: {  	[simem:s7], [sflag:s8] =	dma.local @!p0 [hbm:s6], $0xF7A  }
0x23: {  	s9 =	sor.u32 $0xD0000000, s2;
	s6 =	simm.s32 $0x108;
	_ =	swait.ge @!p0 [sflag:s8], $0x0  }
0x24: {  	s3 =	sadd.s32 $0x88, s3;
	s6 =	simm.s32 @!p1 $0x1082;
	[sflag:s4] =	ssyncset.s32 $0xFFFFF086  }
0x25: {  	[simem:s6], [sflag:s4] =	dma.local [hbm:s3], $0xF7A  }
0x26: {  	[smem:$0x3F9D] =	sst s1;
	(tag) =	ssettag s2;
	_ =	strace s9  }
0x27: {  	s1 =	sld [smem:$0x3FAD]  }
0x28: {  	s2 =	sld [smem:$0x3FAE]  }
0x29: {  	s4 =	sld [smem:$0x3FB0]  }
0x2a: {  	p0 =	seq.s32 s5, $0x0;
	s5 =	sld [smem:$0x3FB1]  }
0x2b: {  	s6 =	sld [smem:$0x3FB2]  }
0x2c: {  	s7 =	sld [smem:$0x3FB3]  }
0x2d: {  	s3 =	simm.s32 $0x108;
	s8 =	sld [smem:$0x3FB4]  }
0x2e: {  	s3 =	simm.s32 @!p0 $0x1082;
	s9 =	sld [smem:$0x3FB5]  }
0x2f: {  	lr =	sadd.s32 s0, s3;
	s0 =	sld [smem:$0x3FAC]  }
0x30: {  	s3 =	sld [smem:$0x3FAF]  }
0x31: {  	[smem:$0x3FB8] =	sst s10  }
0x32: {  	s10 =	sld [smem:$0x3FB6];
	_ =	sdelay $0x3  }
0x33: {  	p0 =	seq.s32 s10, $0x1;
	s10 =	sld [smem:$0x3FB8];
	_ =	sdelay $0x3  }
0x34: {  	[smem:$0x3FB8] =	sst s10  }
0x35: {  	s10 =	sld [smem:$0x3FB7];
	_ =	sdelay $0x3  }
0x36: {  	p1 =	seq.s32 s10, $0x1;
	s10 =	sld [smem:$0x3FB8];
	_ =	sdelay $0x3  }
0x37: {  	[smem:$0x3FB8] =	sst s10  }
0x38: {  	s10 =	sld [smem:$0x3FB9]  }
0x39: {  	_ = 	snop;
	(pc) =	sbr.ind lr, $3  }
0x3a: {  	_ = 	snop  }
0x3b: {  	_ = 	snop  }
0x3c: {  	p2 =	seq.s32 s10, $0x1;
	s10 =	sld [smem:$0x3FB8]  }
0x3d: {  	_ =	shalt  }
0x3e: {  	_ =	shalt  }
0x3f: {  	_ =	shalt  }
0x40: {  	_ =	shalt  }
0x41: {  	_ =	shalt  }
0x42: {  	_ =	shalt  }
0x43: {  	_ =	shalt  }
0x44: {  	_ =	shalt  }
0x45: {  	_ =	shalt  }
0x46: {  	_ =	shalt  }
0x47: {  	_ =	shalt  }
0x48: {  	_ =	shalt  }
0x49: {  	_ =	shalt  }
0x4a: {  	_ =	shalt  }
0x4b: {  	_ =	shalt  }
0x4c: {  	_ =	shalt  }
0x4d: {  	_ =	shalt  }
0x4e: {  	_ =	shalt  }
0x4f: {  	_ =	shalt  }
0x50: {  	_ =	shalt  }
0x51: {  	_ =	shalt  }
0x52: {  	_ =	shalt  }
0x53: {  	_ =	shalt  }
0x54: {  	_ =	shalt  }
0x55: {  	_ =	shalt  }
0x56: {  	_ =	shalt  }
0x57: {  	_ =	shalt  }
0x58: {  	_ =	shalt  }
0x59: {  	_ =	shalt  }
0x5a: {  	_ =	shalt  }
0x5b: {  	_ =	shalt  }
0x5c: {  	_ =	shalt  }
0x5d: {  	_ =	shalt  }
0x5e: {  	_ =	shalt  }
0x5f: {  	_ =	shalt  }
0x60: {  	_ =	shalt  }
0x61: {  	_ =	shalt  }
0x62: {  	_ =	shalt  }
0x63: {  	_ =	shalt  }
0x64: {  	_ =	shalt  }
0x65: {  	_ =	shalt  }
0x66: {  	_ =	shalt  }
0x67: {  	_ =	shalt  }
0x68: {  	_ =	shalt  }
0x69: {  	_ =	shalt  }
0x6a: {  	_ =	shalt  }
0x6b: {  	_ =	shalt  }
0x6c: {  	_ =	shalt  }
0x6d: {  	_ =	shalt  }
0x6e: {  	_ =	shalt  }
0x6f: {  	_ =	shalt  }
0x70: {  	_ =	shalt  }
0x71: {  	_ =	shalt  }
0x72: {  	_ =	shalt  }
0x73: {  	_ =	shalt  }
0x74: {  	_ =	shalt  }
0x75: {  	_ =	shalt  }
0x76: {  	_ =	shalt  }
0x77: {  	_ =	shalt  }
0x78: {  	_ =	shalt  }
0x79: {  	_ =	shalt  }
0x7a: {  	_ =	shalt  }
0x7b: {  	_ =	shalt  }
0x7c: {  	_ =	shalt  }
0x7d: {  	_ =	shalt  }
0x7e: {  	_ =	shalt  }
0x7f: {  	_ =	shalt  }
0x80: {  	_ =	shalt  }
0x81: {  	_ =	shalt  }
0x82: {  	_ =	shalt  }
0x83: {  	_ =	shalt  }
0x84: {  	_ =	shalt  }
0x85: {  	_ =	shalt  }
0x86: {  	_ =	shalt  }
0x87: {  	_ =	shalt  }
.Lfunc_end0:
.L_simem_size_0:
called_computation_lowered:
.L_overlay_start_0:
0x88: {  	s2 =	sld [smem:$0x3FD9]  }
0x89: {  	s3 =	sld [smem:$0x3FFE];
	_ =	sdelay $0x1  }
0x8a: {  	s1 =	srdreg.scid  }
0x8b: {  	s0 =	sand.u32 $0x1, s1  }
0x8c: {  	s14 =	sshll.u32 s0, $0xA;
	s2 =	sadd.s32 s3, s2  }
0x8d: {  	s2 =	sadd.s32 s2, s14  }
0x8e: {  	[smem:$0x3FC4] =	sst s2  }
0x8f: {  	_ = 	snop  }
0x90: {  	s2 =	sld [smem:$0x3FD0];
	_ =	sdelay $0x1  }
0x91: {  	s15 =	sld [smem:$0x3FC9]  }
0x92: {  	s5 =	simm.s32 $0xA;
	s6 =	simm.s32 $0x10;
	s4 =	sld [smem:$0x3FC7]  }
0x93: {  	[smem:s6], [sflag:s5] =	dma.local [hbm:s2], $0x1  }
0x94: {  	_ =	swait.eq [sflag:s5], $0x1  }
0x95: {  	[sflag:s5] =	ssyncset.done $0x0  }
0x96: {  	[sflag:s5] =	ssyncadd.s32 $0xFFFFFFFF  }
0x97: {  	s16 =	sld [smem:$0x11];
	(tm) =	ssettm $0x1  }
0x98: {  	s17 =	sld [smem:$0x3FFB];
	_ =	sdelay $0x3  }
0x99: {  	_ =	strace s17  }
0x9a: {  	s5 =	sld [smem:$0x3FFC];
	_ =	sdelay $0x3  }
0x9b: {  	_ =	strace s5  }
0x9c: {  	s5 =	sld [smem:$0x3FFD];
	_ =	sdelay $0x3  }
0x9d: {  	_ =	strace s5  }
0x9e: {  	_ =	strace $0x8FFFFFFF  }
0x9f: {  	s18 =	sld [smem:$0x3FDB];
	_ =	sdelay $0x1  }
0xa0: {  	s19 =	simm.s32 $_scs_section_size  }
0xa1: {  	s7 =	simm.s32 $_size__tile_overlayer_lowered;
	s8 =	simm.s32 $_tile_overlayer_lowered  }
0xa2: {  	s22 =	simm.s32 $0x1BFF;
	s21 =	sshll.u32 s8, $0x1;
	s5 =	sadd.s32 s19, s18  }
0xa3: {  	s9 =	simm.s32 $0x0;
	s20 =	sshll.u32 s7, $0x1;
	s7 =	sadd.s32 s21, s5  }
0xa4: {  	[timem:s9], [sflag:s22] =	dma.local [hbm:s7], s20  }
0xa5: {  	_ =	swait.ge [sflag:s22], s20  }
0xa6: {  	s6 =	ssub.s32 $0x0, s20;
	[sflag:s22] =	ssyncset.done $0x0  }
0xa7: {  	[sflag:s22] =	ssyncadd.s32 s6;
	_ =	sdelay $0x1  }
0xa8: {  	s23 =	simm.s32 $0x1B8B  }
0xa9: {  	_ =	swait.ge [sflag:s23], $0x1  }
0xaa: {  	[sflag:s23] =	ssyncset.done $0x0  }
0xab: {  	s25 =	simm.s32 $0x1B8E;
	s24 =	sld [smem:$0x3FFE];
	[sflag:s23] =	ssyncadd.s32 $0xFFFFFFFF  }
0xac: {  	s26 =	simm.s32 $execute0_lowered;
	[smem:$0x3FD2] =	sst s25  }
0xad: {  	s7 =	sshll.u32 s26, $0x1;
	_ =	strace $0x80000046;
	[dreg:$0x1] =	wrdreg $0xFFFFFFFF  }
0xae: {  	s28 =	simm.s32 $_size_execute0_lowered;
	s5 =	sadd.s32 s5, s7;
	[dreg:$0x0] =	wrdreg $0x0  }
0xaf: {  	s7 =	sshll.u32 s28, $0x1;
	[dreg:$0x2] =	wrdreg s5  }
0xb0: {  	[dreg:$0x3] =	wrdreg s7  }
0xb1: {  	[dreg:$0x4] =	wrdreg $0xC0  }
0xb2: {  	_ =	task [dreg:s9], $0x5FFFF  }
0xb3: {  	[dreg:$0x1] =	wrdreg $0xFFFFFFFF  }
0xb4: {  	[dreg:$0x0] =	wrdreg $0x60  }
0xb5: {  	[dreg:$0x2] =	wrdreg s15  }
0xb6: {  	[dreg:$0x3] =	wrdreg s4  }
0xb7: {  	[dreg:$0x4] =	wrdreg s24  }
0xb8: {  	[dreg:$0x5] =	wrdreg s16  }
0xb9: {  	[dreg:$0x6] =	wrdreg $0x1B4000  }
0xba: {  	[dreg:$0x7] =	wrdreg $0x9  }
0xbb: {  	_ =	task.clear_ibuf [dreg:s9], $0x8FFFF;
	_ =	strace $0x90000046  }
0xbc: {  	s29 =	simm.s32 $0x9;
	_ =	strace $0x80000048  }
0xbd: {  	_ =	swait.ge [sflag:s29], $0x1  }
0xbe: {  	[sflag:s29] =	ssyncadd.s32 $0xFFFFFFFF  }
0xbf: {  	_ =	strace $0x90000048  }
0xc0: {  	_ =	sfence  }
0xc1: {  	s30 =	sld [smem:$0x0];
	_ =	sdelay $0x2  }
0xc2: {  	s31 =	sshll.u32 s1, $0xD;
	s1 =	sshrl.u32 s1, $0x2  }
0xc3: {  	s3 =	sand.u32 $0x4000, s31;
	s1 =	sadd.s32 s1, s30  }
0xc4: {  	s0 =	sor.u32 s3, s0;
	s1 =	sshll.u32 s1, $0x11  }
0xc5: {  	s0 =	sor.u32 s1, s0  }
0xc6: {  	s0 =	sadd.s32 $0x8F2B, s0  }
0xc7: {  	[sflag:s0] =	ssyncadd.remote.s32 $0x1  }
0xc8: {  	_ =	sfence.sel $0xFFFF  }
0xc9: {  	[dreg:$0x0] =	wrdreg $0xFFFFFFFF;
	(pc) =	sbr.abs _section_cstart, $3  }
0xca: {  	[dreg:$0x1] =	wrdreg $0xFFFFFFFF  }
0xcb: {  	_ =	task.clear_ibuf [dreg:s9], $0x2FFFF;
	_ =	strace $0x9FFFFFFF  }
0xcc: {  	(tm) =	ssettm $0x7FFFFFFF  }
0xcd: {  	_ =	shalt  }
tec
execute0_lowered:
.L_overlay_start_1:
0x0: {  	(tag) =	ssettag $0x1  }
0x1: {  	s0 =	rddreg [dreg:$0x0]  }
0x2: {  	s2 =	rddreg [dreg:$0x1]  }
0x3: {  	s6 =	rddreg [dreg:$0x2];
	s3 =	srdreg.scid  }
0x4: {  	s7 =	rddreg [dreg:$0x3];
	s1 =	stileid.u32  }
0x5: {  	s4 =	rddreg [dreg:$0x4];
	s5 =	simm.s32 $0x0;
	s13 =	simm.s32 $0x5  }
0x6: {  	s14 =	simm.s32 $0x80;
	s15 =	simm.s32 $0x400;
	s17 =	simm.s32 $0x1  }
0x7: {  	s18 =	simm.s32 $0x2;
	s19 =	simm.s32 $0x3;
	s8 =	sand.u32 $0x1, s3  }
0x8: {  	s20 =	simm.s32 $0x4;
	s10 =	sshll.u32 s1, $0x1;
	s9 =	sshll.u32 s8, $0x5  }
0x9: {  	s3 =	rddreg [dreg:$0x5];
	s31 =	smul.u32 $0x6C000, s1;
	s9 =	sor.u32 s10, s9  }
0xa: {  	[smem:$0x7FF] =	sst s5;
	s6 =	sadd.s32 $0x600, s6;
	s9 =	smul.u32 $0x6C000, s9  }
.Ltmp0:
0xb: {  	p0 =	sgt.u32 s1, $0x1;
	s8 =	ssub.s32 $0x2, s8;
	(pc) =	sbr.rel .LBB2_1-.Ltmp0, $4  }
0xc: {  	s16 =	sshll.u32 s1, $0x6;
	_ =	strace $0x80000047;
	s11 =	sshrl.u32 s8, $0x1  }
0xd: {  	s10 =	sshrl.u32 s31, $0x2;
	s12 =	ssub.s32 s8, s11;
	s9 =	sshrl.u32 s9, $0x3  }
0xe: {  	s8 =	sadd.s32 s10, s4;
	s12 =	smax.u32 s12, $0x1;
	s7 =	sadd.s32 s7, s9  }
0xf: {  	s9 =	sadd.s32 $0x6C00, s7;
	s10 =	sadd.s32 $0xD800, s7;
	s11 =	sadd.s32 $0x14400, s7  }
.LBB2_10:
0x10: {  	[bflag:$0x0] =	sbarrier.arrive $0xFFFF;
	s21 =	sor.u32 $0x1C01, s16;
	s22 =	sshrl.u32 s4, $0x3  }
0x11: {  	s29 =	sor.u32 $0x1C02, s16;
	s30 =	sor.u32 $0x1C03, s16;
	s31 =	sor.u32 $0x1C04, s16  }
0x12: {  	[hbm:s7], [sflag:s21] =	dma.local [spmem:s22], $0x6C00  }
0x13: {  	[hbm:s9], [sflag:s29] =	dma.local [spmem:s22], $0x6C00  }
0x14: {  	[hbm:s10], [sflag:s30] =	dma.local [spmem:s22], $0x6C00  }
0x15: {  	[hbm:s11], [sflag:s31] =	dma.local [spmem:s22], $0x6C00  }
0x16: {  	_ =	swait.ge [sflag:s17], $0x6C00  }
0x17: {  	[sflag:s17] =	ssyncset.done $0x0  }
0x18: {  	[sflag:s17] =	ssyncadd.s32 $0xFFFF9400  }
0x19: {  	_ =	swait.ge [sflag:s18], $0x6C00  }
0x1a: {  	[sflag:s18] =	ssyncset.done $0x0  }
0x1b: {  	s5 =	sadd.s32 $0x1, s5;
	[sflag:s18] =	ssyncadd.s32 $0xFFFF9400  }
0x1c: {  	p1 =	sne.s32 s5, s12;
	_ =	swait.ge [sflag:s19], $0x6C00  }
.Ltmp1:
0x1d: {  	[sflag:s19] =	ssyncset.done $0x0;
	(pc) =	sbr.rel @!p1 .LBB2_11-.Ltmp1, $4  }
0x1e: {  	[sflag:s19] =	ssyncadd.s32 $0xFFFF9400  }
0x1f: {  	_ =	swait.ge [sflag:s20], $0x6C00  }
0x20: {  	[sflag:s20] =	ssyncset.done $0x0  }
0x21: {  	[sflag:s20] =	ssyncadd.s32 $0xFFFF9400  }
.LBB2_1:
.Ltmp2:
0x22: {  	(pc) =	sbr.rel @p0 .LBB2_10-.Ltmp2, $1  }
0x23: {  	_ =	sdelay $0x3  }
0x24: {  	s21 =	simm.s32 $0x0  }
0x25: {  	[tilespmem:s21], [sflag:$0x5] =	stream.linear.gather [hbm4b:s0+s21], $0x1, $0x38;
	[tilespmem:$0x1EA00] =	vst v63  }
0x26: {  	_ =	swait.ge [sflag:s13], $0x1  }
0x27: {  	[sflag:s13] =	ssyncset.done $0x0  }
0x28: {  	[sflag:s13] =	ssyncadd.s32 $0xFFFFFFFF  }
0x29: {  	[tilespmem:s14], [sflag:$0x5] =	stream.linear.gather [hbm4b:s2+s21], $0x1, $0x38;
	[tilespmem:$0x1EA00] =	vst v63  }
0x2a: {  	_ =	swait.ge [sflag:s13], $0x1  }
0x2b: {  	[sflag:s13] =	ssyncset.done $0x0  }
0x2c: {  	[sflag:s13] =	ssyncadd.s32 $0xFFFFFFFF  }
0x2d: {  	v0 =	vld [tilespmem:$0x80]  }
0x2e: {  	v1 =	vld [tilespmem:$0x0];
	_ =	sdelay $0x3  }
0x2f: {  	(v2sf) =	vpush v0, $0x0  }
0x30: {  	(v2sf) =	vpush v1, $0x0;
	_ =	sdelay $0xd  }
0x31: {  	s22 =	spop (v2sf)  }
0x32: {  	s23 =	spop (v2sf)  }
0x33: {  	s23 =	smul.u32 $0x300, s23;
	_ =	sdelay $0x1  }
0x34: {  	s23 =	sshrl.u32 s23, $0x3  }
0x35: {  	s24 =	simm.s32 $0x100;
	s23 =	sadd.s32 s6, s23  }
0x36: {  	[tilespmem:s24], [sflag:$0x5] =	stream.linear.gather [hbm4b:s23+s21], $0x300, $0x38;
	[tilespmem:$0x1EA00] =	vst v63  }
0x37: {  	_ =	swait.ge [sflag:s13], $0x300  }
0x38: {  	[sflag:s13] =	ssyncset.done $0x0  }
0x39: {  	[sflag:s13] =	ssyncadd.s32 $0xFFFFFD00  }
0x3a: {  	v1 =	vld [tilespmem:s24+$0x0];
	_ =	sdelay $0x1  }
0x3b: {  	s22 =	ssub.f32 $0.0e+00, s22;
	_ =	sdelay $0x1  }
0x3c: {  	v0 =	vmov s22  }
0x3d: {  	v1 =	vmul.f32 v1, v0;
	_ =	sdelay $0x1  }
0x3e: {  	v1 =	vmul.f32 $1.442695020e+00, v1;
	_ =	sdelay $0x1  }
0x3f: {  	(erf) = vpow2.f32 v1;
	_ =	sdelay $0x8  }
0x40: {  	v1 =	vpop (erf)  }
0x41: {  	v1 =	vadd.f32 $1.000000000e+00, v1;
	_ =	sdelay $0x1  }
0x42: {  	(erf) = vrcp.f32 v1;
	_ =	sdelay $0x7  }
0x43: {  	s30 =	sand.u32 $0x70, s21;
	s31 =	sand.u32 $0x1C00, s21  }
0x44: {  	s22 =	sor.u32 s30, s31;
	v1 =	vpop (erf)  }
0x45: {  	s24 =	simm.s32 $0x110;
	[tilespmem:s22+$0x400] =	vst v1  }
0x46: {  	s25 =	simm.s32 $0x20;
	s23 =	simm.s32 $0x0;
	s22 =	simm.s32 $0x10;
	v1 =	vld [tilespmem:s24+$0x0]  }
.LBB2_3:
0x47: {  	p1 =	seq.s32 s25, $0x2F0;
	_ =	sdelay $0x3  }
0x48: {  	v1 =	vmul.f32 v1, v0;
	_ =	sdelay $0x1  }
0x49: {  	v1 =	vmul.f32 $1.442695020e+00, v1;
	_ =	sdelay $0x1  }
0x4a: {  	(erf) = vpow2.f32 v1;
	_ =	sdelay $0x8  }
0x4b: {  	v1 =	vpop (erf)  }
0x4c: {  	v1 =	vadd.f32 $1.000000000e+00, v1;
	_ =	sdelay $0x1  }
0x4d: {  	(erf) = vrcp.f32 v1;
	_ =	sdelay $0x6  }
.Ltmp3:
0x4e: {  	s23 =	sadd.s32 $0x80, s23;
	(pc) =	sbr.rel @!p1 .LBB2_3-.Ltmp3, $4  }
0x4f: {  	s26 =	sand.u32 $0x70, s22;
	s22 =	smov.u32 s25;
	s28 =	sand.u32 $0x1C00, s23  }
0x50: {  	s26 =	sor.u32 s26, s28;
	v1 =	vpop (erf)  }
0x51: {  	s24 =	sadd.s32 $0x10, s24;
	[tilespmem:s26+$0x400] =	vst v1  }
0x52: {  	s25 =	sadd.s32 $0x10, s25;
	v1 =	vld [tilespmem:s24+$0x0]  }
0x53: {  	_ =	sdelay $0x3  }
0x54: {  	v0 =	vmul.f32 v1, v0;
	_ =	sdelay $0x1  }
0x55: {  	v0 =	vmul.f32 $1.442695020e+00, v0;
	_ =	sdelay $0x1  }
0x56: {  	(erf) = vpow2.f32 v0;
	_ =	sdelay $0x8  }
0x57: {  	v0 =	vpop (erf)  }
0x58: {  	v0 =	vadd.f32 $1.000000000e+00, v0;
	_ =	sdelay $0x1  }
0x59: {  	(erf) = vrcp.f32 v0;
	_ =	sdelay $0x6  }
0x5a: {  	s23 =	sadd.s32 $0x80, s23  }
0x5b: {  	s22 =	sand.u32 $0x70, s22;
	s23 =	sand.u32 $0x1C00, s23  }
0x5c: {  	s22 =	sor.u32 s22, s23;
	v0 =	vpop (erf)  }
0x5d: {  	[tilespmem:s22+$0x400] =	vst v0  }
.LBB2_6:
0x5e: {  	s21 =	sadd.s32 $0x1, s21  }
0x5f: {  	s22 =	sshrl.u32 s21, $0x3  }
0x60: {  	s23 =	sshll.u32 s21, $0x7;
	s22 =	smul.u32 $0x6000, s22  }
0x61: {  	s25 =	simm.s32 $0x0;
	s24 =	sand.u32 $0x380, s23  }
0x62: {  	s23 =	sand.u32 $0x70, s25;
	s26 =	sshra.s32 s22, $0x2;
	s22 =	sand.u32 $0x1C00, s25  }
0x63: {  	s31 =	sor.u32 s23, s22  }
0x64: {  	s24 =	sor.u32 s24, s26;
	v0 =	vld [tilespmem:s31+$0x400]  }
0x65: {  	s25 =	simm.s32 $0x10;
	s26 =	simm.s32 $0x80;
	s24 =	sor.u32 $0x400, s24  }
.LBB2_7:
0x66: {  	s28 =	sand.u32 $0x70, s25  }
0x67: {  	s29 =	sadd.s32 s22, s24;
	s22 =	sand.u32 $0x1C00, s26;
	p1 =	seq.s32 s25, $0x2F0  }
.Ltmp4:
0x68: {  	s25 =	sadd.s32 $0x10, s25;
	s23 =	sadd.s32 s23, s29;
	(pc) =	sbr.rel @!p1 .LBB2_7-.Ltmp4, $3  }
0x69: {  	s29 =	sor.u32 s28, s22;
	[tilespmem:s23+$0x0] =	vst v0;
	s23 =	smov.u32 s28  }
0x6a: {  	v0 =	vld [tilespmem:s29+$0x400];
	_ =	sdelay $0x1  }
0x6b: {  	s26 =	sadd.s32 $0x80, s26  }
0x6c: {  	s22 =	sadd.s32 s22, s24  }
0x6d: {  	s22 =	sadd.s32 s23, s22  }
0x6e: {  	[tilespmem:s22+$0x0] =	vst v0  }
0x6f: {  	p1 =	seq.s32 s21, $0x8F  }
.Ltmp5:
0x70: {  	_ = 	snop;
	(pc) =	sbr.rel @!p1 .LBB2_6-.Ltmp5, $1  }
0x71: {  	_ =	sdelay $0x3  }
.Ltmp6:
0x72: {  	(pc) =	sbr.rel .LBB2_10-.Ltmp6, $4  }
0x73: {  	[spmem:s8] =	stream.linear.scatter [tilespmem:s15], [sflag:$0x5], $0x1B000, $0x38;
	[tilespmem:$0x1EA00] =	vst v63  }
0x74: {  	_ =	swait.ge [sflag:s13], $0x1B000  }
0x75: {  	[sflag:s13] =	ssyncset.done $0x0  }
0x76: {  	[sflag:s13] =	ssyncadd.s32 $0xFFFE5000  }
.LBB2_11:
0x77: {  	_ =	sfence.sel $0x180000  }
0x78: {  	[bflag:$0x0] =	sbarrier.arrive $0xFFFF  }
0x79: {  	p0 =	sne.s32 s1, $0x0;
	_ =	strace $0x90000047  }
0x7a: {  	s0 =	sadd.s32 @!p0 $0x100000, s3;
	[bflag:$0x2] =	sbarrier.arrive $0xFFFF  }
0x7b: {  	[sflag:s0] =	ssyncadd.tile.s32 @!p0 $0x1;
	_ =	shalt  }
.Lfunc_end2:
_tile_overlayer_lowered:
.L_overlay_start_2:
0x7c: {  	(tag) =	ssettag $0x2  }
0x7d: {  	s0 =	rddreg [dreg:$0x0];
	s2 =	stileid.u32  }
0x7e: {  	s1 =	rddreg [dreg:$0x1];
	p0 =	sne.s32 s2, $0x0  }
0x7f: {  	s3 =	rddreg [dreg:$0x2];
	[bflag:$0x3] =	sbarrier.arrive $0xFFFF;
	s2 =	simm.s32 @!p0 $0x1C05  }
0x80: {  	[timem:s3], [sflag:s2] =	dma.local @!p0 [hbm:s0], s1  }
0x81: {  	s0 =	simm.s32 @!p0 $0x5  }
0x82: {  	_ =	swait.ge @!p0 [sflag:s0], s1  }
0x83: {  	s1 =	ssub.s32 @!p0 $0x0, s1;
	[sflag:s0] =	ssyncset.done @!p0 $0x0  }
0x84: {  	[sflag:s0] =	ssyncadd.s32 @!p0 s1  }
0x85: {  	[bflag:$0x3] =	sbarrier.arrive $0xFFFF  }
0x86: {  	_ =	shalt  }

</sc_bundles>
